<compile_context>
chip_gen: v7x
topology: tpu7x:2x2x1
jax: 0.10.2.dev20260603
libtpu: 0.0.44.dev20260713+nightly
codegen_flags: <defaults>
</compile_context>

<pallas_src>
import functools
import math

import jax
import jax.numpy as jnp
from jax import lax
from jax.experimental import pallas as pl
from jax.experimental.pallas import tpu as pltpu
from jax.experimental.pallas import tpu_sc as plsc

EMBED_DIM = 64
NUM_CHARS = 95
SPECTRAL = 8
BATCH = 1024
SEQ = 50
N_IDX = BATCH * SEQ

try:
    _info = plsc.get_sparse_core_info()
    _NC, _NS = _info.num_cores, _info.num_subcores
except Exception:
    _NC, _NS = 2, 16
_NW = _NC * _NS
_PER_W = N_IDX // _NW
_CHUNK = 80
_N_CHUNK = _PER_W // _CHUNK
_WPAD = 128


def _pgather_kernel(w_hbm, idx_hbm, out_hbm, idx_v, rows0, rows1, sem0, sem1):
    wid = lax.axis_index("s") * _NC + lax.axis_index("c")
    base = wid * _PER_W
    pltpu.sync_copy(idx_hbm.at[pl.ds(base, _PER_W)], idx_v)

    rows = (rows0, rows1)
    sems = (sem0, sem1)

    def start(cp, b):
        pltpu.async_copy(
            w_hbm.at[idx_v.at[pl.ds(cp * _CHUNK, _CHUNK)]], rows[b], sems[b])

    start(0, 0)
    start(1, 1)

    def body(g, carry):
        for b in range(2):
            cp = g * 2 + b
            pltpu.make_async_copy(
                w_hbm.at[idx_v.at[pl.ds(cp * _CHUNK, _CHUNK)]], rows[b],
                sems[b]).wait()
            pltpu.sync_copy(rows[b],
                            out_hbm.at[pl.ds(base + cp * _CHUNK, _CHUNK)])

            @pl.when(cp + 2 < _N_CHUNK)
            def _():
                start(cp + 2, b)
        return carry

    lax.fori_loop(0, _N_CHUNK // 2, body, 0)


@functools.cache
def _pgather_call():
    return pl.kernel(
        _pgather_kernel,
        out_type=jax.ShapeDtypeStruct((N_IDX, _WPAD), jnp.float32),
        mesh=plsc.VectorSubcoreMesh(core_axis_name="c", subcore_axis_name="s"),
        scratch_types=[
            pltpu.VMEM((_PER_W,), jnp.int32),
            pltpu.VMEM((_CHUNK, _WPAD), jnp.float32),
            pltpu.VMEM((_CHUNK, _WPAD), jnp.float32),
            pltpu.SemaphoreType.DMA,
            pltpu.SemaphoreType.DMA,
        ],
    )


def _wave_kernel(pos_ref, p_ref, w_ref, r_ref, s_ref, c_ref):
    p = p_ref[0]
    omega = p[0:1, :] * 2.0
    a1 = p[1:2, :]
    a2 = p[2:3, :]
    a3 = p[3:4, :]
    beta = p[4:5, :]
    gamma = 1.0 / (1.0 + jnp.exp(-p[5:6, :]))
    phi = p[6:7, :] * math.pi

    j = lax.broadcasted_iota(jnp.int32, (EMBED_DIM, BATCH), 0).astype(
        jnp.float32)
    theta = omega * j + phi
    s1 = jnp.sin(theta)
    c1 = jnp.cos(theta)
    base = (a1 * s1 + a2 * (2.0 * s1 * c1)
            + a3 * (3.0 - 4.0 * s1 * s1) * s1) * jnp.exp(-gamma * j)
    psl = jnp.sin(pos_ref[pl.program_id(0)].astype(jnp.float32)
                  * (0.1 * math.pi))
    wave = base + (beta * psl) * j

    w_ref[...] = wave[None]
    r_ref[...] = pltpu.roll(wave, 1, axis=0)[None]
    s_ref[...] = jnp.sin(wave)[None]
    c_ref[...] = jnp.cos(wave)[None]


_wave_call = pl.pallas_call(
    _wave_kernel,
    grid=(SEQ,),
    in_specs=[
        pl.BlockSpec(memory_space=pltpu.SMEM),
        pl.BlockSpec((1, SPECTRAL, BATCH), lambda l: (l, 0, 0)),
    ],
    out_specs=[pl.BlockSpec((1, EMBED_DIM, BATCH), lambda l: (l, 0, 0))] * 4,
    out_shape=[jax.ShapeDtypeStruct((SEQ, EMBED_DIM, BATCH), jnp.float32)] * 4,
)


def kernel(indices, positions, W):
    idxflat = indices.T.reshape(N_IDX)
    wpad = jnp.concatenate(
        [W, jnp.zeros((NUM_CHARS, _WPAD - SPECTRAL), W.dtype)], axis=1)
    pg = _pgather_call()(wpad, idxflat)
    pgt = (pg.reshape(SEQ, BATCH, _WPAD)[:, :, :SPECTRAL]
           .transpose(0, 2, 1))
    wt_, rt_, st_, ct_ = _wave_call(positions, pgt)
    psi = [a.transpose(2, 0, 1) for a in (wt_, rt_, st_, ct_)]
    return jnp.stack(psi, axis=-1)

# --- scband reference (transcript-rebuilt; emitter-appended) ---
"""Pipeline reference for scband-physical-tokenizer-13907104104849 (READ-ONLY COPY).

The authoritative reference and input builder live on the scoring server;
editing this copy changes nothing except your own understanding.
"""

import jax, jax.numpy as jnp
import numpy as np
import math

EMBED_DIM = 64
NUM_CHARS = 95  # ascii 32..126 inclusive
SPECTRAL_DIM = 8
BATCH = 1024
SEQ = 50


def setup_inputs(seed: int = 0) -> dict:
    key = jax.random.key(seed)
    k1, k2 = jax.random.split(key)
    indices = jax.random.randint(k1, (BATCH, SEQ), 0, NUM_CHARS, dtype=jnp.int32)
    positions = jnp.arange(SEQ, dtype=jnp.int32)
    # xavier_uniform init for the spectral embedding table [num_chars, spectral_params_dim]
    bound = math.sqrt(6.0 / (NUM_CHARS + SPECTRAL_DIM))
    W = jax.random.uniform(k2, (NUM_CHARS, SPECTRAL_DIM), minval=-bound, maxval=bound, dtype=jnp.float32)
    return {"indices": indices, "positions": positions, "W": W}


def reference(indices, positions, W):
    # Vectorized, eval-mode (no training noise) version of
    # PhysicalTokenizer._generate_probe_wave applied to every (char, position).
    params = jnp.take(W, indices, axis=0)            # [B, L, 8] embedding lookup
    omega = params[..., 0:1] * 2.0                   # [B, L, 1]
    A1 = params[..., 1:2]
    A2 = params[..., 2:3]
    A3 = params[..., 3:4]
    beta = params[..., 4:5]
    gamma = jax.nn.sigmoid(params[..., 5:6])
    phi = params[..., 6:7] * math.pi
    # params[..., 7] is the training-noise scale; training=False so it is unused.

    j = jnp.arange(EMBED_DIM, dtype=jnp.float32)     # [D]
    wave = (A1 * jnp.sin(1.0 * omega * j + phi)
            + A2 * jnp.sin(2.0 * omega * j + phi * 2.0)
            + A3 * jnp.sin(3.0 * omega * j + phi * 3.0))  # [B, L, D]
    wave = wave * jnp.exp(-gamma * j)
    position_phase = positions.astype(jnp.float32) * 0.1 * math.pi  # [L]
    wave = wave + beta * j * jnp.sin(position_phase)[None, :, None]

    psi0 = wave
    psi1 = jnp.roll(wave, shift=1, axis=-1)
    psi2 = jnp.sin(wave)
    psi3 = jnp.cos(wave)
    psi_probe = jnp.stack([psi0, psi1, psi2, psi3], axis=-1)  # [B, L, D, 4]
    return psi_probe

if __name__ == "__main__":
    import jax
    _d = setup_inputs()
    print(jax.jit(kernel)(*tuple(_d.values())))

</pallas_src>

<mosaic_0001>
#map = affine_map<(d0, d1) -> (0, 0)>
#map1 = affine_map<(d0, d1) -> (0)>
module attributes {stable_mosaic.version = 14 : i64} {
  func.func @_pgather_kernel(%arg0: i32, %arg1: i32, %arg2: memref<95x128xf32, #tpu.memory_space<hbm>>, %arg3: memref<51200xi32, #tpu.memory_space<hbm>>, %arg4: memref<51200x128xf32, #tpu.memory_space<hbm>>, %arg5: memref<1600xi32, #tpu.memory_space<vmem>>, %arg6: memref<80x128xf32, #tpu.memory_space<vmem>>, %arg7: memref<80x128xf32, #tpu.memory_space<vmem>>, %arg8: memref<!tpu.dma_semaphore, #tpu.memory_space<semaphore_mem>>, %arg9: memref<!tpu.dma_semaphore, #tpu.memory_space<semaphore_mem>>) attributes {dimension_semantics = [#tpu.dimension_semantics<core_parallel>, #tpu.dimension_semantics<subcore_parallel>], iteration_bounds = array<i64: 2, 16>, scalar_prefetch = 0 : i64, scratch_operands = 5 : i64, tpu.core_type = #tpu.core_type<sc_vector_subcore>, window_params = [{transform_indices = #map}, {transform_indices = #map1}, {transform_indices = #map}]} {
    %mul3A = arith.constant 2 : i32
    %mul3A_0 = arith.muli %arg1, %mul3A : i32
    %add3A = arith.addi %mul3A_0, %arg0 : i32
    %mul3A_1 = arith.constant 1600 : i32
    %mul3A_2 = arith.muli %add3A, %mul3A_1 : i32
    "tpu.region"() ({
      %run_scoped3A = tpu.sem_alloc : memref<!tpu.dma_semaphore, #tpu.memory_space<semaphore_mem>>
      %dma_start3A_17 = tpu.memref_slice %arg3[%mul3A_2] : memref<51200xi32, #tpu.memory_space<hbm>> -> memref<1600xi32, #tpu.memory_space<hbm>>
      %dma_start3A_18 = tpu.memref_slice %arg3[%mul3A_2] : memref<51200xi32, #tpu.memory_space<hbm>> -> memref<1600xi32, #tpu.memory_space<hbm>>
      tpu.enqueue_dma source(%dma_start3A_18 : memref<1600xi32, #tpu.memory_space<hbm>>) target(%arg5 : memref<1600xi32, #tpu.memory_space<vmem>>) target_semaphore(%run_scoped3A : memref<!tpu.dma_semaphore, #tpu.memory_space<semaphore_mem>>)
      %dma_wait3A = tpu.memref_slice %arg3[%mul3A_2] : memref<51200xi32, #tpu.memory_space<hbm>> -> memref<1600xi32, #tpu.memory_space<hbm>>
      %dma_wait3A_19 = tpu.memref_slice %arg3[%mul3A_2] : memref<51200xi32, #tpu.memory_space<hbm>> -> memref<1600xi32, #tpu.memory_space<hbm>>
      tpu.wait_dma2 semaphore(%run_scoped3A : memref<!tpu.dma_semaphore, #tpu.memory_space<semaphore_mem>>) src(%dma_wait3A_19 : memref<1600xi32, #tpu.memory_space<hbm>>) dst(%arg5 : memref<1600xi32, #tpu.memory_space<vmem>>)
      tpu.yield
    }) : () -> ()
    %dma_start3A = arith.constant 0 : i32
    %dma_start3A_3 = tpu.memref_slice %arg5[%dma_start3A] : memref<1600xi32, #tpu.memory_space<vmem>> -> memref<80xi32, #tpu.memory_space<vmem>>
    %dma_start3A_4 = arith.constant 0 : i32
    %dma_start3A_5 = arith.constant 0 : i32
    %dma_start3A_6 = tpu.memref_slice %arg2[%dma_start3A_4, %dma_start3A_5] : memref<95x128xf32, #tpu.memory_space<hbm>> -> memref<95x128xf32, #tpu.memory_space<hbm>>
    tpu.enqueue_indirect_dma source(%dma_start3A_6 : memref<95x128xf32, #tpu.memory_space<hbm>>) target(%arg6 : memref<80x128xf32, #tpu.memory_space<vmem>>) offsets(%dma_start3A_3 : memref<80xi32, #tpu.memory_space<vmem>>) semaphore(%arg8 : memref<!tpu.dma_semaphore, #tpu.memory_space<semaphore_mem>>)
    %dma_start3A_7 = arith.constant 80 : i32
    %dma_start3A_8 = tpu.memref_slice %arg5[%dma_start3A_7] : memref<1600xi32, #tpu.memory_space<vmem>> -> memref<80xi32, #tpu.memory_space<vmem>>
    %dma_start3A_9 = arith.constant 0 : i32
    %dma_start3A_10 = arith.constant 0 : i32
    %dma_start3A_11 = tpu.memref_slice %arg2[%dma_start3A_9, %dma_start3A_10] : memref<95x128xf32, #tpu.memory_space<hbm>> -> memref<95x128xf32, #tpu.memory_space<hbm>>
    tpu.enqueue_indirect_dma source(%dma_start3A_11 : memref<95x128xf32, #tpu.memory_space<hbm>>) target(%arg7 : memref<80x128xf32, #tpu.memory_space<vmem>>) offsets(%dma_start3A_8 : memref<80xi32, #tpu.memory_space<vmem>>) semaphore(%arg9 : memref<!tpu.dma_semaphore, #tpu.memory_space<semaphore_mem>>)
    %scan3A = arith.constant 0 : i32
    %scan3A_12 = arith.constant 0 : i32
    %scan3A_13 = arith.constant 10 : i32
    %scan3A_14 = arith.addi %scan3A_12, %scan3A_13 : i32
    %scan3A_15 = arith.constant 1 : i32
    scf.for %scan3A_17 = %scan3A_12 to %scan3A_14 step %scan3A_15  : i32 {
      %mul3A_18 = arith.constant 2 : i32
      %mul3A_19 = arith.muli %scan3A_17, %mul3A_18 : i32
      %add3A_20 = arith.constant 0 : i32
      %add3A_21 = arith.addi %mul3A_19, %add3A_20 : i32
      %mul3A_22 = arith.constant 80 : i32
      %mul3A_23 = arith.muli %add3A_21, %mul3A_22 : i32
      %dma_wait3A = tpu.memref_slice %arg5[%mul3A_23] : memref<1600xi32, #tpu.memory_space<vmem>> -> memref<80xi32, #tpu.memory_space<vmem>>
      %dma_wait3A_24 = arith.constant 0 : i32
      %dma_wait3A_25 = arith.constant 0 : i32
      %dma_wait3A_26 = tpu.memref_slice %arg2[%dma_wait3A_24, %dma_wait3A_25] : memref<95x128xf32, #tpu.memory_space<hbm>> -> memref<95x128xf32, #tpu.memory_space<hbm>>
      tpu.wait_indirect_dma semaphore(%arg8 : memref<!tpu.dma_semaphore, #tpu.memory_space<semaphore_mem>>) src(%dma_wait3A_26 : memref<95x128xf32, #tpu.memory_space<hbm>>) dst(%arg6 : memref<80x128xf32, #tpu.memory_space<vmem>>)
      %mul3A_27 = arith.constant 80 : i32
      %mul3A_28 = arith.muli %add3A_21, %mul3A_27 : i32
      %add3A_29 = arith.addi %mul3A_2, %mul3A_28 : i32
      "tpu.region"() ({
        %run_scoped3A = tpu.sem_alloc : memref<!tpu.dma_semaphore, #tpu.memory_space<semaphore_mem>>
        %dma_start3A_54 = arith.constant 0 : i32
        %dma_start3A_55 = tpu.memref_slice %arg4[%add3A_29, %dma_start3A_54] : memref<51200x128xf32, #tpu.memory_space<hbm>> -> memref<80x128xf32, #tpu.memory_space<hbm>>
        %dma_start3A_56 = arith.constant 0 : i32
        %dma_start3A_57 = tpu.memref_slice %arg4[%add3A_29, %dma_start3A_56] : memref<51200x128xf32, #tpu.memory_space<hbm>> -> memref<80x128xf32, #tpu.memory_space<hbm>>
        tpu.enqueue_dma source(%arg6 : memref<80x128xf32, #tpu.memory_space<vmem>>) target(%dma_start3A_57 : memref<80x128xf32, #tpu.memory_space<hbm>>) target_semaphore(%run_scoped3A : memref<!tpu.dma_semaphore, #tpu.memory_space<semaphore_mem>>)
        %dma_wait3A_58 = arith.constant 0 : i32
        %dma_wait3A_59 = tpu.memref_slice %arg4[%add3A_29, %dma_wait3A_58] : memref<51200x128xf32, #tpu.memory_space<hbm>> -> memref<80x128xf32, #tpu.memory_space<hbm>>
        %dma_wait3A_60 = arith.constant 0 : i32
        %dma_wait3A_61 = tpu.memref_slice %arg4[%add3A_29, %dma_wait3A_60] : memref<51200x128xf32, #tpu.memory_space<hbm>> -> memref<80x128xf32, #tpu.memory_space<hbm>>
        tpu.wait_dma2 semaphore(%run_scoped3A : memref<!tpu.dma_semaphore, #tpu.memory_space<semaphore_mem>>) src(%arg6 : memref<80x128xf32, #tpu.memory_space<vmem>>) dst(%dma_wait3A_61 : memref<80x128xf32, #tpu.memory_space<hbm>>)
        tpu.yield
      }) : () -> ()
      %add3A_30 = arith.constant 2 : i32
      %add3A_31 = arith.addi %add3A_21, %add3A_30 : i32
      %lt3A = arith.constant 20 : i32
      %lt3A_32 = arith.cmpi slt, %add3A_31, %lt3A : i32
      %convert_element_type3A = arith.extui %lt3A_32 : i1 to i32
      %cond3A = arith.constant 0 : i32
      %cond3A_33 = arith.cmpi ne, %convert_element_type3A, %cond3A : i32
      scf.if %cond3A_33 {
        %add3A_54 = arith.constant 2 : i32
        %add3A_55 = arith.addi %add3A_21, %add3A_54 : i32
        %mul3A_56 = arith.constant 80 : i32
        %mul3A_57 = arith.muli %add3A_55, %mul3A_56 : i32
        %dma_start3A_58 = tpu.memref_slice %arg5[%mul3A_57] : memref<1600xi32, #tpu.memory_space<vmem>> -> memref<80xi32, #tpu.memory_space<vmem>>
        %dma_start3A_59 = arith.constant 0 : i32
        %dma_start3A_60 = arith.constant 0 : i32
        %dma_start3A_61 = tpu.memref_slice %arg2[%dma_start3A_59, %dma_start3A_60] : memref<95x128xf32, #tpu.memory_space<hbm>> -> memref<95x128xf32, #tpu.memory_space<hbm>>
        tpu.enqueue_indirect_dma source(%dma_start3A_61 : memref<95x128xf32, #tpu.memory_space<hbm>>) target(%arg6 : memref<80x128xf32, #tpu.memory_space<vmem>>) offsets(%dma_start3A_58 : memref<80xi32, #tpu.memory_space<vmem>>) semaphore(%arg8 : memref<!tpu.dma_semaphore, #tpu.memory_space<semaphore_mem>>)
      } else {
      }
      %mul3A_34 = arith.constant 2 : i32
      %mul3A_35 = arith.muli %scan3A_17, %mul3A_34 : i32
      %add3A_36 = arith.constant 1 : i32
      %add3A_37 = arith.addi %mul3A_35, %add3A_36 : i32
      %mul3A_38 = arith.constant 80 : i32
      %mul3A_39 = arith.muli %add3A_37, %mul3A_38 : i32
      %dma_wait3A_40 = tpu.memref_slice %arg5[%mul3A_39] : memref<1600xi32, #tpu.memory_space<vmem>> -> memref<80xi32, #tpu.memory_space<vmem>>
      %dma_wait3A_41 = arith.constant 0 : i32
      %dma_wait3A_42 = arith.constant 0 : i32
      %dma_wait3A_43 = tpu.memref_slice %arg2[%dma_wait3A_41, %dma_wait3A_42] : memref<95x128xf32, #tpu.memory_space<hbm>> -> memref<95x128xf32, #tpu.memory_space<hbm>>
      tpu.wait_indirect_dma semaphore(%arg9 : memref<!tpu.dma_semaphore, #tpu.memory_space<semaphore_mem>>) src(%dma_wait3A_43 : memref<95x128xf32, #tpu.memory_space<hbm>>) dst(%arg7 : memref<80x128xf32, #tpu.memory_space<vmem>>)
      %mul3A_44 = arith.constant 80 : i32
      %mul3A_45 = arith.muli %add3A_37, %mul3A_44 : i32
      %add3A_46 = arith.addi %mul3A_2, %mul3A_45 : i32
      "tpu.region"() ({
        %run_scoped3A = tpu.sem_alloc : memref<!tpu.dma_semaphore, #tpu.memory_space<semaphore_mem>>
        %dma_start3A_54 = arith.constant 0 : i32
        %dma_start3A_55 = tpu.memref_slice %arg4[%add3A_46, %dma_start3A_54] : memref<51200x128xf32, #tpu.memory_space<hbm>> -> memref<80x128xf32, #tpu.memory_space<hbm>>
        %dma_start3A_56 = arith.constant 0 : i32
        %dma_start3A_57 = tpu.memref_slice %arg4[%add3A_46, %dma_start3A_56] : memref<51200x128xf32, #tpu.memory_space<hbm>> -> memref<80x128xf32, #tpu.memory_space<hbm>>
        tpu.enqueue_dma source(%arg7 : memref<80x128xf32, #tpu.memory_space<vmem>>) target(%dma_start3A_57 : memref<80x128xf32, #tpu.memory_space<hbm>>) target_semaphore(%run_scoped3A : memref<!tpu.dma_semaphore, #tpu.memory_space<semaphore_mem>>)
        %dma_wait3A_58 = arith.constant 0 : i32
        %dma_wait3A_59 = tpu.memref_slice %arg4[%add3A_46, %dma_wait3A_58] : memref<51200x128xf32, #tpu.memory_space<hbm>> -> memref<80x128xf32, #tpu.memory_space<hbm>>
        %dma_wait3A_60 = arith.constant 0 : i32
        %dma_wait3A_61 = tpu.memref_slice %arg4[%add3A_46, %dma_wait3A_60] : memref<51200x128xf32, #tpu.memory_space<hbm>> -> memref<80x128xf32, #tpu.memory_space<hbm>>
        tpu.wait_dma2 semaphore(%run_scoped3A : memref<!tpu.dma_semaphore, #tpu.memory_space<semaphore_mem>>) src(%arg7 : memref<80x128xf32, #tpu.memory_space<vmem>>) dst(%dma_wait3A_61 : memref<80x128xf32, #tpu.memory_space<hbm>>)
        tpu.yield
      }) : () -> ()
      %add3A_47 = arith.constant 2 : i32
      %add3A_48 = arith.addi %add3A_37, %add3A_47 : i32
      %lt3A_49 = arith.constant 20 : i32
      %lt3A_50 = arith.cmpi slt, %add3A_48, %lt3A_49 : i32
      %convert_element_type3A_51 = arith.extui %lt3A_50 : i1 to i32
      %cond3A_52 = arith.constant 0 : i32
      %cond3A_53 = arith.cmpi ne, %convert_element_type3A_51, %cond3A_52 : i32
      scf.if %cond3A_53 {
        %add3A_54 = arith.constant 2 : i32
        %add3A_55 = arith.addi %add3A_37, %add3A_54 : i32
        %mul3A_56 = arith.constant 80 : i32
        %mul3A_57 = arith.muli %add3A_55, %mul3A_56 : i32
        %dma_start3A_58 = tpu.memref_slice %arg5[%mul3A_57] : memref<1600xi32, #tpu.memory_space<vmem>> -> memref<80xi32, #tpu.memory_space<vmem>>
        %dma_start3A_59 = arith.constant 0 : i32
        %dma_start3A_60 = arith.constant 0 : i32
        %dma_start3A_61 = tpu.memref_slice %arg2[%dma_start3A_59, %dma_start3A_60] : memref<95x128xf32, #tpu.memory_space<hbm>> -> memref<95x128xf32, #tpu.memory_space<hbm>>
        tpu.enqueue_indirect_dma source(%dma_start3A_61 : memref<95x128xf32, #tpu.memory_space<hbm>>) target(%arg7 : memref<80x128xf32, #tpu.memory_space<vmem>>) offsets(%dma_start3A_58 : memref<80xi32, #tpu.memory_space<vmem>>) semaphore(%arg9 : memref<!tpu.dma_semaphore, #tpu.memory_space<semaphore_mem>>)
      } else {
      }
    }
    %scan3A_16 = arith.constant 10 : i32
    return
  }
}

module attributes {stable_mosaic.version = 14 : i64} {
  func.func @_wave_kernel(%arg0: i32, %arg1: memref<50xi32, #tpu.memory_space<smem>>, %arg2: memref<1x8x1024xf32, #tpu.memory_space<vmem>>, %arg3: memref<1x64x1024xf32, #tpu.memory_space<vmem>>, %arg4: memref<1x64x1024xf32, #tpu.memory_space<vmem>>, %arg5: memref<1x64x1024xf32, #tpu.memory_space<vmem>>, %arg6: memref<1x64x1024xf32, #tpu.memory_space<vmem>>) attributes {dimension_semantics = [#tpu.dimension_semantics<arbitrary>], iteration_bounds = array<i64: 50>, scalar_prefetch = 0 : i64, scratch_operands = 0 : i64, tpu.core_type = #tpu.core_type<tc>, window_params = [{transform_indices = @transform_0, window_bounds = array<i64: 50>}, {transform_indices = @transform_1, window_bounds = array<i64: 1, 8, 1024>}, {transform_indices = @transform_2, window_bounds = array<i64: 1, 64, 1024>}, {transform_indices = @transform_3, window_bounds = array<i64: 1, 64, 1024>}, {transform_indices = @transform_4, window_bounds = array<i64: 1, 64, 1024>}, {transform_indices = @transform_5, window_bounds = array<i64: 1, 64, 1024>}]} {
    %get3A = arith.constant 0 : index
    %get3A_0 = arith.constant 0 : index
    %get3A_1 = arith.constant 0 : index
    %get3A_2 = vector.load %arg2[%get3A, %get3A_0, %get3A_1] : memref<1x8x1024xf32, #tpu.memory_space<vmem>>, vector<1x8x1024xf32>
    %get3A_3 = vector.shape_cast %get3A_2 : vector<1x8x1024xf32> to vector<8x1024xf32>
    %slice3A = vector.extract_strided_slice %get3A_3 {offsets = [0, 0], sizes = [1, 1024], strides = [1, 1]} : vector<8x1024xf32> to vector<1x1024xf32>
    %mul3A = arith.constant 2.000000e+00 : f32
    %mul3A_4 = vector.broadcast %mul3A : f32 to vector<1x1024xf32>
    %mul3A_5 = arith.mulf %slice3A, %mul3A_4 : vector<1x1024xf32>
    %slice3A_6 = vector.extract_strided_slice %get3A_3 {offsets = [1, 0], sizes = [1, 1024], strides = [1, 1]} : vector<8x1024xf32> to vector<1x1024xf32>
    %slice3A_7 = vector.extract_strided_slice %get3A_3 {offsets = [2, 0], sizes = [1, 1024], strides = [1, 1]} : vector<8x1024xf32> to vector<1x1024xf32>
    %slice3A_8 = vector.extract_strided_slice %get3A_3 {offsets = [3, 0], sizes = [1, 1024], strides = [1, 1]} : vector<8x1024xf32> to vector<1x1024xf32>
    %slice3A_9 = vector.extract_strided_slice %get3A_3 {offsets = [4, 0], sizes = [1, 1024], strides = [1, 1]} : vector<8x1024xf32> to vector<1x1024xf32>
    %slice3A_10 = vector.extract_strided_slice %get3A_3 {offsets = [5, 0], sizes = [1, 1024], strides = [1, 1]} : vector<8x1024xf32> to vector<1x1024xf32>
    %neg3A = arith.constant 0.000000e+00 : f32
    %neg3A_11 = vector.broadcast %neg3A : f32 to vector<1x1024xf32>
    %neg3A_12 = arith.subf %neg3A_11, %slice3A_10 : vector<1x1024xf32>
    %exp3A = math.exp %neg3A_12 : vector<1x1024xf32>
    %add3A = arith.constant 1.000000e+00 : f32
    %add3A_13 = vector.broadcast %add3A : f32 to vector<1x1024xf32>
    %add3A_14 = arith.addf %add3A_13, %exp3A : vector<1x1024xf32>
    %div3A = arith.constant 1.000000e+00 : f32
    %div3A_15 = vector.broadcast %div3A : f32 to vector<1x1024xf32>
    %div3A_16 = arith.divf %div3A_15, %add3A_14 : vector<1x1024xf32>
    %slice3A_17 = vector.extract_strided_slice %get3A_3 {offsets = [6, 0], sizes = [1, 1024], strides = [1, 1]} : vector<8x1024xf32> to vector<1x1024xf32>
    %mul3A_18 = arith.constant 3.14159274 : f32
    %mul3A_19 = vector.broadcast %mul3A_18 : f32 to vector<1x1024xf32>
    %mul3A_20 = arith.mulf %slice3A_17, %mul3A_19 : vector<1x1024xf32>
    %iota3A = tpu.iota {dimensions = array<i32: 0>} : vector<64x1024xi32>
    %convert_element_type3A = arith.sitofp %iota3A : vector<64x1024xi32> to vector<64x1024xf32>
    %mul3A_21 = vector.broadcast %mul3A_5 : vector<1x1024xf32> to vector<64x1024xf32>
    %mul3A_22 = arith.mulf %mul3A_21, %convert_element_type3A : vector<64x1024xf32>
    %add3A_23 = vector.broadcast %mul3A_20 : vector<1x1024xf32> to vector<64x1024xf32>
    %add3A_24 = arith.addf %mul3A_22, %add3A_23 : vector<64x1024xf32>
    %sin3A = math.sin %add3A_24 : vector<64x1024xf32>
    %cos3A = math.cos %add3A_24 : vector<64x1024xf32>
    %mul3A_25 = vector.broadcast %slice3A_6 : vector<1x1024xf32> to vector<64x1024xf32>
    %mul3A_26 = arith.mulf %mul3A_25, %sin3A : vector<64x1024xf32>
    %mul3A_27 = arith.constant 2.000000e+00 : f32
    %mul3A_28 = vector.broadcast %mul3A_27 : f32 to vector<64x1024xf32>
    %mul3A_29 = arith.mulf %mul3A_28, %sin3A : vector<64x1024xf32>
    %mul3A_30 = arith.mulf %mul3A_29, %cos3A : vector<64x1024xf32>
    %mul3A_31 = vector.broadcast %slice3A_7 : vector<1x1024xf32> to vector<64x1024xf32>
    %mul3A_32 = arith.mulf %mul3A_31, %mul3A_30 : vector<64x1024xf32>
    %add3A_33 = arith.addf %mul3A_26, %mul3A_32 : vector<64x1024xf32>
    %mul3A_34 = arith.constant 4.000000e+00 : f32
    %mul3A_35 = vector.broadcast %mul3A_34 : f32 to vector<64x1024xf32>
    %mul3A_36 = arith.mulf %mul3A_35, %sin3A : vector<64x1024xf32>
    %mul3A_37 = arith.mulf %mul3A_36, %sin3A : vector<64x1024xf32>
    %sub3A = arith.constant 3.000000e+00 : f32
    %sub3A_38 = vector.broadcast %sub3A : f32 to vector<64x1024xf32>
    %sub3A_39 = arith.subf %sub3A_38, %mul3A_37 : vector<64x1024xf32>
    %mul3A_40 = vector.broadcast %slice3A_8 : vector<1x1024xf32> to vector<64x1024xf32>
    %mul3A_41 = arith.mulf %mul3A_40, %sub3A_39 : vector<64x1024xf32>
    %mul3A_42 = arith.mulf %mul3A_41, %sin3A : vector<64x1024xf32>
    %add3A_43 = arith.addf %add3A_33, %mul3A_42 : vector<64x1024xf32>
    %neg3A_44 = arith.constant 0.000000e+00 : f32
    %neg3A_45 = vector.broadcast %neg3A_44 : f32 to vector<1x1024xf32>
    %neg3A_46 = arith.subf %neg3A_45, %div3A_16 : vector<1x1024xf32>
    %mul3A_47 = vector.broadcast %neg3A_46 : vector<1x1024xf32> to vector<64x1024xf32>
    %mul3A_48 = arith.mulf %mul3A_47, %convert_element_type3A : vector<64x1024xf32>
    %exp3A_49 = math.exp %mul3A_48 : vector<64x1024xf32>
    %mul3A_50 = arith.mulf %add3A_43, %exp3A_49 : vector<64x1024xf32>
    %get3A_51 = arith.index_cast %arg0 : i32 to index
    %get3A_52 = memref.load %arg1[%get3A_51] : memref<50xi32, #tpu.memory_space<smem>>
    %convert_element_type3A_53 = arith.sitofp %get3A_52 : i32 to f32
    %mul3A_54 = arith.constant 0.314159274 : f32
    %mul3A_55 = arith.mulf %convert_element_type3A_53, %mul3A_54 : f32
    %sin3A_56 = math.sin %mul3A_55 : f32
    %mul3A_57 = vector.broadcast %sin3A_56 : f32 to vector<1x1024xf32>
    %mul3A_58 = arith.mulf %slice3A_9, %mul3A_57 : vector<1x1024xf32>
    %mul3A_59 = vector.broadcast %mul3A_58 : vector<1x1024xf32> to vector<64x1024xf32>
    %mul3A_60 = arith.mulf %mul3A_59, %convert_element_type3A : vector<64x1024xf32>
    %add3A_61 = arith.addf %mul3A_50, %mul3A_60 : vector<64x1024xf32>
    %broadcast_in_dim3A = vector.shape_cast %add3A_61 : vector<64x1024xf32> to vector<1x64x1024xf32>
    %swap3A = arith.constant 0 : index
    %swap3A_62 = arith.constant 0 : index
    %swap3A_63 = arith.constant 0 : index
    %swap3A_64 = vector.load %arg3[%swap3A, %swap3A_62, %swap3A_63] : memref<1x64x1024xf32, #tpu.memory_space<vmem>>, vector<1x64x1024xf32>
    tpu.vector_store %arg3[%swap3A, %swap3A_62, %swap3A_63], %broadcast_in_dim3A {strides = array<i32>} : memref<1x64x1024xf32, #tpu.memory_space<vmem>>, vector<1x64x1024xf32>,
    %roll3A = arith.constant 1 : i32
    %roll3A_65 = tpu.dynamic_rotate %add3A_61 by %roll3A dim 0 : vector<64x1024xf32>, i32 -> vector<64x1024xf32>
    %broadcast_in_dim3A_66 = vector.shape_cast %roll3A_65 : vector<64x1024xf32> to vector<1x64x1024xf32>
    %swap3A_67 = arith.constant 0 : index
    %swap3A_68 = arith.constant 0 : index
    %swap3A_69 = arith.constant 0 : index
    %swap3A_70 = vector.load %arg4[%swap3A_67, %swap3A_68, %swap3A_69] : memref<1x64x1024xf32, #tpu.memory_space<vmem>>, vector<1x64x1024xf32>
    tpu.vector_store %arg4[%swap3A_67, %swap3A_68, %swap3A_69], %broadcast_in_dim3A_66 {strides = array<i32>} : memref<1x64x1024xf32, #tpu.memory_space<vmem>>, vector<1x64x1024xf32>,
    %sin3A_71 = math.sin %add3A_61 : vector<64x1024xf32>
    %broadcast_in_dim3A_72 = vector.shape_cast %sin3A_71 : vector<64x1024xf32> to vector<1x64x1024xf32>
    %swap3A_73 = arith.constant 0 : index
    %swap3A_74 = arith.constant 0 : index
    %swap3A_75 = arith.constant 0 : index
    %swap3A_76 = vector.load %arg5[%swap3A_73, %swap3A_74, %swap3A_75] : memref<1x64x1024xf32, #tpu.memory_space<vmem>>, vector<1x64x1024xf32>
    tpu.vector_store %arg5[%swap3A_73, %swap3A_74, %swap3A_75], %broadcast_in_dim3A_72 {strides = array<i32>} : memref<1x64x1024xf32, #tpu.memory_space<vmem>>, vector<1x64x1024xf32>,
    %cos3A_77 = math.cos %add3A_61 : vector<64x1024xf32>
    %broadcast_in_dim3A_78 = vector.shape_cast %cos3A_77 : vector<64x1024xf32> to vector<1x64x1024xf32>
    %swap3A_79 = arith.constant 0 : index
    %swap3A_80 = arith.constant 0 : index
    %swap3A_81 = arith.constant 0 : index
    %swap3A_82 = vector.load %arg6[%swap3A_79, %swap3A_80, %swap3A_81] : memref<1x64x1024xf32, #tpu.memory_space<vmem>>, vector<1x64x1024xf32>
    tpu.vector_store %arg6[%swap3A_79, %swap3A_80, %swap3A_81], %broadcast_in_dim3A_78 {strides = array<i32>} : memref<1x64x1024xf32, #tpu.memory_space<vmem>>, vector<1x64x1024xf32>,
    return
  }
  func.func @transform_0(%arg0: i32) -> i32 {
    %c0_i32 = arith.constant 0 : i32
    %c0_i32_0 = arith.constant 0 : i32
    return %c0_i32 : i32
  }
  func.func @transform_1(%arg0: i32) -> (i32, i32, i32) {
    %c0_i32 = arith.constant 0 : i32
    %c0_i32_0 = arith.constant 0 : i32
    %c0_i32_1 = arith.constant 0 : i32
    return %arg0, %c0_i32, %c0_i32_0 : i32, i32, i32
  }
  func.func @transform_2(%arg0: i32) -> (i32, i32, i32) {
    %c0_i32 = arith.constant 0 : i32
    %c0_i32_0 = arith.constant 0 : i32
    %c0_i32_1 = arith.constant 0 : i32
    return %arg0, %c0_i32, %c0_i32_0 : i32, i32, i32
  }
  func.func @transform_3(%arg0: i32) -> (i32, i32, i32) {
    %c0_i32 = arith.constant 0 : i32
    %c0_i32_0 = arith.constant 0 : i32
    %c0_i32_1 = arith.constant 0 : i32
    return %arg0, %c0_i32, %c0_i32_0 : i32, i32, i32
  }
  func.func @transform_4(%arg0: i32) -> (i32, i32, i32) {
    %c0_i32 = arith.constant 0 : i32
    %c0_i32_0 = arith.constant 0 : i32
    %c0_i32_1 = arith.constant 0 : i32
    return %arg0, %c0_i32, %c0_i32_0 : i32, i32, i32
  }
  func.func @transform_5(%arg0: i32) -> (i32, i32, i32) {
    %c0_i32 = arith.constant 0 : i32
    %c0_i32_0 = arith.constant 0 : i32
    %c0_i32_1 = arith.constant 0 : i32
    return %arg0, %c0_i32, %c0_i32_0 : i32, i32, i32
  }
}

</mosaic_0001>

<sc_bundles>
// kernel: kernel.4.cloned.1.call-start
scs
__scs_entry_jumppad:
0x0: {  	(pc) =	sbr.rel $0x88, $3  }
0x1: {  	(tag) =	ssettag $0x0;
	lr =	simm.s32 $0x1  }
0x2: {  	[smem:$0x3F9E] =	sst lr;
	_ =	strace $0xD0000000  }
0x3: {  	_ = 	snop  }
0x4: {  	_ = 	snop  }
0x5: {  	_ = 	snop  }
0x6: {  	_ = 	snop  }
0x7: {  	_ = 	snop  }
__scs_overlays_trampoline_lowered:
0x8: {  	[smem:$0x3FAD] =	sst s0  }
0x9: {  	[smem:$0x3FAE] =	sst s1  }
0xa: {  	[smem:$0x3FAF] =	sst s2  }
0xb: {  	[smem:$0x3FB0] =	sst s3  }
0xc: {  	[smem:$0x3FB1] =	sst s4  }
0xd: {  	[smem:$0x3FB2] =	sst s5  }
0xe: {  	[smem:$0x3FB3] =	sst s6  }
0xf: {  	[smem:$0x3FB4] =	sst s7  }
0x10: {  	[smem:$0x3FB5] =	sst s8  }
0x11: {  	[smem:$0x3FB6] =	sst s9;
	s0 =	simm.s32 @!p0 $0x0  }
0x12: {  	s1 =	sld [smem:$0x3F9C];
	s0 =	simm.s32 @p0 $0x1  }
0x13: {  	[smem:$0x3FB7] =	sst s0;
	s0 =	simm.s32 @!p1 $0x0  }
0x14: {  	s2 =	sld [smem:$0x3F9B];
	s0 =	simm.s32 @p1 $0x1  }
0x15: {  	[smem:$0x3FB8] =	sst s0;
	s0 =	simm.s32 @!p2 $0x0  }
0x16: {  	s3 =	sld [smem:$0x3FDB];
	s0 =	simm.s32 @p2 $0x1  }
0x17: {  	s4 =	simm.s32 $0x1BF5;
	[smem:$0x3FBA] =	sst s0  }
0x18: {  	s0 =	sld [smem:$0x3F9D];
	_ =	swait.ge [sflag:s4], $0x0  }
0x19: {  	s7 =	sld [smem:$0x3F9E]  }
0x1a: {  	s8 =	sadd.s32 $0xFFFFE003, lr  }
0x1b: {  	s9 =	sadd.s32 $0xFFFFFEF7, lr;
	s5 =	simm.s32 $0xFFFFFFFF;
	p2 =	slt.u32 s8, $0xFFFFF086  }
0x1c: {  	p1 =	slt.u32 s9, $0xF7A;
	s5 =	simm.s32 @!p2 $0x0  }
0x1d: {  	s5 =	simm.s32 @p1 $0x1;
	p0 =	seq.s32 s7, s2  }
0x1e: {  	s7 =	smul.u32 @!p0 $0xF7A, s2;
	p2 =	seq.s32 @!p0 s5, $0x0  }
0x1f: {  	s9 =	smul.u32 $0xF7A, s1;
	s8 =	simm.s32 @!p0 $0x1BF5;
	p2 =	por !p2, p0  }
0x20: {  	[sflag:s8] =	ssyncset.s32 @!p0 $0xFFFFF086;
	s6 =	sadd.s32 @!p0 s3, s7;
	s7 =	simm.s32 @!p0 $0x108  }
0x21: {  	s3 =	sadd.s32 s3, s9;
	s6 =	sadd.s32 @!p0 $0x88, s6;
	s7 =	simm.s32 @p2 $0x1082  }
0x22: {  	[simem:s7], [sflag:s8] =	dma.local @!p0 [hbm:s6], $0xF7A  }
0x23: {  	s9 =	sor.u32 $0xD0000000, s2;
	s6 =	simm.s32 $0x108;
	_ =	swait.ge @!p0 [sflag:s8], $0x0  }
0x24: {  	s3 =	sadd.s32 $0x88, s3;
	s6 =	simm.s32 @!p1 $0x1082;
	[sflag:s4] =	ssyncset.s32 $0xFFFFF086  }
0x25: {  	[simem:s6], [sflag:s4] =	dma.local [hbm:s3], $0xF7A  }
0x26: {  	[smem:$0x3F9E] =	sst s1;
	(tag) =	ssettag s2;
	_ =	strace s9  }
0x27: {  	s1 =	sld [smem:$0x3FAE]  }
0x28: {  	s2 =	sld [smem:$0x3FAF]  }
0x29: {  	s4 =	sld [smem:$0x3FB1]  }
0x2a: {  	p0 =	seq.s32 s5, $0x0;
	s5 =	sld [smem:$0x3FB2]  }
0x2b: {  	s6 =	sld [smem:$0x3FB3]  }
0x2c: {  	s7 =	sld [smem:$0x3FB4]  }
0x2d: {  	s3 =	simm.s32 $0x108;
	s8 =	sld [smem:$0x3FB5]  }
0x2e: {  	s3 =	simm.s32 @!p0 $0x1082;
	s9 =	sld [smem:$0x3FB6]  }
0x2f: {  	lr =	sadd.s32 s0, s3;
	s0 =	sld [smem:$0x3FAD]  }
0x30: {  	s3 =	sld [smem:$0x3FB0]  }
0x31: {  	[smem:$0x3FB9] =	sst s10  }
0x32: {  	s10 =	sld [smem:$0x3FB7];
	_ =	sdelay $0x3  }
0x33: {  	p0 =	seq.s32 s10, $0x1;
	s10 =	sld [smem:$0x3FB9];
	_ =	sdelay $0x3  }
0x34: {  	[smem:$0x3FB9] =	sst s10  }
0x35: {  	s10 =	sld [smem:$0x3FB8];
	_ =	sdelay $0x3  }
0x36: {  	p1 =	seq.s32 s10, $0x1;
	s10 =	sld [smem:$0x3FB9];
	_ =	sdelay $0x3  }
0x37: {  	[smem:$0x3FB9] =	sst s10  }
0x38: {  	s10 =	sld [smem:$0x3FBA]  }
0x39: {  	_ = 	snop;
	(pc) =	sbr.ind lr, $3  }
0x3a: {  	_ = 	snop  }
0x3b: {  	_ = 	snop  }
0x3c: {  	p2 =	seq.s32 s10, $0x1;
	s10 =	sld [smem:$0x3FB9]  }
0x3d: {  	_ =	shalt  }
0x3e: {  	_ =	shalt  }
0x3f: {  	_ =	shalt  }
0x40: {  	_ =	shalt  }
0x41: {  	_ =	shalt  }
0x42: {  	_ =	shalt  }
0x43: {  	_ =	shalt  }
0x44: {  	_ =	shalt  }
0x45: {  	_ =	shalt  }
0x46: {  	_ =	shalt  }
0x47: {  	_ =	shalt  }
0x48: {  	_ =	shalt  }
0x49: {  	_ =	shalt  }
0x4a: {  	_ =	shalt  }
0x4b: {  	_ =	shalt  }
0x4c: {  	_ =	shalt  }
0x4d: {  	_ =	shalt  }
0x4e: {  	_ =	shalt  }
0x4f: {  	_ =	shalt  }
0x50: {  	_ =	shalt  }
0x51: {  	_ =	shalt  }
0x52: {  	_ =	shalt  }
0x53: {  	_ =	shalt  }
0x54: {  	_ =	shalt  }
0x55: {  	_ =	shalt  }
0x56: {  	_ =	shalt  }
0x57: {  	_ =	shalt  }
0x58: {  	_ =	shalt  }
0x59: {  	_ =	shalt  }
0x5a: {  	_ =	shalt  }
0x5b: {  	_ =	shalt  }
0x5c: {  	_ =	shalt  }
0x5d: {  	_ =	shalt  }
0x5e: {  	_ =	shalt  }
0x5f: {  	_ =	shalt  }
0x60: {  	_ =	shalt  }
0x61: {  	_ =	shalt  }
0x62: {  	_ =	shalt  }
0x63: {  	_ =	shalt  }
0x64: {  	_ =	shalt  }
0x65: {  	_ =	shalt  }
0x66: {  	_ =	shalt  }
0x67: {  	_ =	shalt  }
0x68: {  	_ =	shalt  }
0x69: {  	_ =	shalt  }
0x6a: {  	_ =	shalt  }
0x6b: {  	_ =	shalt  }
0x6c: {  	_ =	shalt  }
0x6d: {  	_ =	shalt  }
0x6e: {  	_ =	shalt  }
0x6f: {  	_ =	shalt  }
0x70: {  	_ =	shalt  }
0x71: {  	_ =	shalt  }
0x72: {  	_ =	shalt  }
0x73: {  	_ =	shalt  }
0x74: {  	_ =	shalt  }
0x75: {  	_ =	shalt  }
0x76: {  	_ =	shalt  }
0x77: {  	_ =	shalt  }
0x78: {  	_ =	shalt  }
0x79: {  	_ =	shalt  }
0x7a: {  	_ =	shalt  }
0x7b: {  	_ =	shalt  }
0x7c: {  	_ =	shalt  }
0x7d: {  	_ =	shalt  }
0x7e: {  	_ =	shalt  }
0x7f: {  	_ =	shalt  }
0x80: {  	_ =	shalt  }
0x81: {  	_ =	shalt  }
0x82: {  	_ =	shalt  }
0x83: {  	_ =	shalt  }
0x84: {  	_ =	shalt  }
0x85: {  	_ =	shalt  }
0x86: {  	_ =	shalt  }
0x87: {  	_ =	shalt  }
.Lfunc_end0:
.L_simem_size_0:
called_computation.1_lowered:
.L_overlay_start_0:
0x88: {  	s2 =	sld [smem:$0x3FD9]  }
0x89: {  	s3 =	sld [smem:$0x3FFE];
	_ =	sdelay $0x1  }
0x8a: {  	s1 =	srdreg.scid  }
0x8b: {  	s0 =	sand.u32 $0x1, s1  }
0x8c: {  	s17 =	sshll.u32 s0, $0xA;
	s2 =	sadd.s32 s3, s2  }
0x8d: {  	s2 =	sadd.s32 s2, s17  }
0x8e: {  	[smem:$0x3FC5] =	sst s2  }
0x8f: {  	_ = 	snop  }
0x90: {  	s2 =	sld [smem:$0x3FD0];
	(tm) =	ssettm $0x1  }
0x91: {  	s18 =	sld [smem:$0x3FFB];
	_ =	sdelay $0x3  }
0x92: {  	_ =	strace s18  }
0x93: {  	s3 =	sld [smem:$0x3FFC];
	_ =	sdelay $0x3  }
0x94: {  	_ =	strace s3  }
0x95: {  	s3 =	sld [smem:$0x3FFD];
	_ =	sdelay $0x3  }
0x96: {  	_ =	strace s3  }
0x97: {  	_ =	strace $0x8FFFFFFF  }
0x98: {  	s19 =	sld [smem:$0x3FDB];
	_ =	sdelay $0x1  }
0x99: {  	s4 =	simm.s32 $_scs_section_size  }
0x9a: {  	s5 =	simm.s32 $_size__tile_overlayer_lowered;
	s6 =	simm.s32 $_tile_overlayer_lowered  }
0x9b: {  	s22 =	simm.s32 $0x1BFF;
	s21 =	sshll.u32 s6, $0x1;
	s3 =	sadd.s32 s4, s19  }
0x9c: {  	s7 =	simm.s32 $0x0;
	s20 =	sshll.u32 s5, $0x1;
	s5 =	sadd.s32 s21, s3  }
0x9d: {  	[timem:s7], [sflag:s22] =	dma.local [hbm:s5], s20  }
0x9e: {  	_ =	swait.ge [sflag:s22], s20  }
0x9f: {  	s4 =	ssub.s32 $0x0, s20;
	[sflag:s22] =	ssyncset.done $0x0  }
0xa0: {  	[sflag:s22] =	ssyncadd.s32 s4;
	_ =	sdelay $0x1  }
0xa1: {  	s23 =	simm.s32 $0x1B8B  }
0xa2: {  	_ =	swait.ge [sflag:s23], $0x1  }
0xa3: {  	[sflag:s23] =	ssyncset.done $0x0  }
0xa4: {  	s25 =	simm.s32 $0x1B8E;
	s24 =	sld [smem:$0x3FFE];
	[sflag:s23] =	ssyncadd.s32 $0xFFFFFFFF  }
0xa5: {  	s26 =	simm.s32 $execute0_lowered;
	[smem:$0x3FD2] =	sst s25  }
0xa6: {  	s5 =	sshll.u32 s26, $0x1;
	_ =	strace $0x80000046;
	[dreg:$0x1] =	wrdreg $0xFFFFFFFF  }
0xa7: {  	s28 =	simm.s32 $_size_execute0_lowered;
	s3 =	sadd.s32 s3, s5;
	[dreg:$0x0] =	wrdreg $0x0  }
0xa8: {  	s5 =	sshll.u32 s28, $0x1;
	[dreg:$0x2] =	wrdreg s3  }
0xa9: {  	[dreg:$0x3] =	wrdreg s5  }
0xaa: {  	[dreg:$0x4] =	wrdreg $0xC0  }
0xab: {  	_ =	task [dreg:s7], $0x5FFFF  }
0xac: {  	[dreg:$0x1] =	wrdreg $0xFFFFFFFF  }
0xad: {  	[dreg:$0x0] =	wrdreg $0x60  }
0xae: {  	[dreg:$0x2] =	wrdreg s24  }
0xaf: {  	[dreg:$0x3] =	wrdreg s2  }
0xb0: {  	[dreg:$0x4] =	wrdreg $0x9  }
0xb1: {  	_ =	task.clear_ibuf [dreg:s7], $0x5FFFF;
	_ =	strace $0x90000046  }
0xb2: {  	s29 =	simm.s32 $0x9;
	_ =	strace $0x80000048  }
0xb3: {  	_ =	swait.ge [sflag:s29], $0x1  }
0xb4: {  	[sflag:s29] =	ssyncadd.s32 $0xFFFFFFFF  }
0xb5: {  	_ =	strace $0x90000048  }
0xb6: {  	_ =	sfence  }
0xb7: {  	s30 =	sld [smem:$0x0];
	_ =	sdelay $0x2  }
0xb8: {  	s31 =	sshll.u32 s1, $0xD;
	s1 =	sshrl.u32 s1, $0x2  }
0xb9: {  	s3 =	sand.u32 $0x4000, s31;
	s1 =	sadd.s32 s1, s30  }
0xba: {  	s0 =	sor.u32 s3, s0;
	s1 =	sshll.u32 s1, $0x11  }
0xbb: {  	s0 =	sor.u32 s1, s0  }
0xbc: {  	s0 =	sadd.s32 $0x8F2B, s0  }
0xbd: {  	[sflag:s0] =	ssyncadd.remote.s32 $0x1  }
0xbe: {  	_ =	sfence.sel $0xFFFF  }
0xbf: {  	[dreg:$0x0] =	wrdreg $0xFFFFFFFF;
	(pc) =	sbr.abs _section_cstart, $3  }
0xc0: {  	[dreg:$0x1] =	wrdreg $0xFFFFFFFF  }
0xc1: {  	_ =	task.clear_ibuf [dreg:s7], $0x2FFFF;
	_ =	strace $0x9FFFFFFF  }
0xc2: {  	(tm) =	ssettm $0x7FFFFFFF  }
0xc3: {  	_ =	shalt  }
tec
execute0_lowered:
.L_overlay_start_1:
0x0: {  	(tag) =	ssettag $0x1  }
0x1: {  	s4 =	rddreg [dreg:$0x0];
	s1 =	srdreg.scid  }
0x2: {  	s0 =	stileid.u32;
	s7 =	rddreg [dreg:$0x1];
	s2 =	simm.s32 $0x0  }
0x3: {  	s12 =	simm.s32 $0x2E80;
	s13 =	simm.s32 $0x1;
	s14 =	simm.s32 $0x2  }
0x4: {  	s15 =	simm.s32 $0x0;
	s5 =	sand.u32 $0x1, s1;
	s1 =	rddreg [dreg:$0x2]  }
0x5: {  	s3 =	sshll.u32 s0, $0x1;
	[smem:$0x7FF] =	sst s2;
	s29 =	smul.u32 $0xC800, s0  }
0x6: {  	s6 =	sor.u32 s5, s3;
	_ =	strace $0x80000047;
	s11 =	smul.u32 $0x6400, s5  }
0x7: {  	s3 =	sadd.s32 $0x2600, s4;
	s9 =	ssub.s32 $0x2, s5;
	s8 =	smul.u32 $0x640, s6  }
0x8: {  	s10 =	sshrl.u32 s9, $0x1;
	s6 =	smul.u32 $0x6400, s6;
	s31 =	sadd.s32 s29, s7  }
0x9: {  	s28 =	ssub.s32 s9, s10;
	s9 =	simm.s32 $0x3;
	s10 =	simm.s32 $0x50  }
0xa: {  	s8 =	sshrl.u32 s8, $0x3;
	s30 =	sadd.s32 s7, s6;
	s5 =	smax.u32 s28, $0x1  }
0xb: {  	s4 =	sadd.s32 s8, s4;
	s6 =	sadd.s32 $0x5A00, s30;
	s7 =	sadd.s32 $0x5F00, s30  }
0xc: {  	s8 =	sadd.s32 s11, s31;
	s11 =	simm.s32 $0x680;
	s4 =	sadd.s32 $0xC00, s4  }
.LBB2_1:
0xd: {  	[tilespmem:s2], [sflag:$0x3] =	stream.linear.gather [hbm4b:s4+s2], $0x640, $0x38;
	[tilespmem:$0x5680] =	vst v63  }
0xe: {  	_ =	swait.ge [sflag:s9], $0x640  }
0xf: {  	[sflag:s9] =	ssyncset.done $0x0  }
0x10: {  	[sflag:s9] =	ssyncadd.s32 $0xFFFFF9C0  }
0x11: {  	[tilespmem:s11], [sflag:$0x1] =	stream.indirect.gather [hbm4b:s3+s10], $0x80, s2, s10, $0xb8;
	[tilespmem:$0x5680] =	vst v63  }
0x12: {  	_ = 	snop  }
0x13: {  	[tilespmem:s12], [sflag:$0x2] =	stream.indirect.gather [hbm4b:s3+s10], $0x80, s10, s10, $0xb8;
	[tilespmem:$0x5680] =	vst v63  }
0x14: {  	_ =	swait.ge [sflag:s13], $0x2800  }
0x15: {  	[sflag:s13] =	ssyncset.done $0x0  }
0x16: {  	s16 =	sadd.s32 $0x0, s8;
	[sflag:s13] =	ssyncadd.s32 $0xFFFFD800  }
0x17: {  	[hbm4b:s16+s2] =	stream.linear.scatter [tilespmem:s11], [sflag:$0x3], $0x2800, $0x38;
	[tilespmem:$0x5680] =	vst v63  }
0x18: {  	_ =	swait.ge [sflag:s9], $0x2800  }
0x19: {  	[sflag:s9] =	ssyncset.done $0x0  }
0x1a: {  	s17 =	simm.s32 $0xA0;
	[sflag:s9] =	ssyncadd.s32 $0xFFFFD800  }
0x1b: {  	[tilespmem:s11], [sflag:$0x1] =	stream.indirect.gather [hbm4b:s3+s10], $0x80, s17, s10, $0xb8;
	[tilespmem:$0x5680] =	vst v63  }
0x1c: {  	_ =	swait.ge [sflag:s14], $0x2800  }
0x1d: {  	[sflag:s14] =	ssyncset.done $0x0  }
0x1e: {  	s16 =	sadd.s32 $0x500, s16;
	[sflag:s14] =	ssyncadd.s32 $0xFFFFD800  }
0x1f: {  	[hbm4b:s16+s2] =	stream.linear.scatter [tilespmem:s12], [sflag:$0x3], $0x2800, $0x38;
	[tilespmem:$0x5680] =	vst v63  }
0x20: {  	_ =	swait.ge [sflag:s9], $0x2800  }
0x21: {  	s18 =	simm.s32 $0x190;
	[sflag:s9] =	ssyncset.done $0x0  }
0x22: {  	s17 =	simm.s32 $0xA00;
	s16 =	simm.s32 $0xF0;
	[sflag:s9] =	ssyncadd.s32 $0xFFFFD800  }
.LBB2_2:
0x23: {  	[tilespmem:s12], [sflag:$0x2] =	stream.indirect.gather [hbm4b:s3+s10], $0x80, s16, s10, $0xb8;
	[tilespmem:$0x5680] =	vst v63  }
0x24: {  	s19 =	smov.u32 s17;
	s16 =	smov.u32 s18  }
0x25: {  	p0 =	sne.s32 s17, $0x5000;
	s17 =	sadd.s32 $0xA00, s17;
	_ =	swait.ge [sflag:s13], $0x2800  }
0x26: {  	[sflag:s13] =	ssyncset.done $0x0  }
0x27: {  	s19 =	sadd.s32 s19, s8;
	[sflag:s13] =	ssyncadd.s32 $0xFFFFD800  }
0x28: {  	[hbm4b:s19+s2] =	stream.linear.scatter [tilespmem:s11], [sflag:$0x3], $0x2800, $0x38;
	[tilespmem:$0x5680] =	vst v63  }
0x29: {  	_ =	swait.ge [sflag:s9], $0x2800  }
0x2a: {  	[sflag:s9] =	ssyncset.done $0x0  }
0x2b: {  	s20 =	sadd.s32 $0xFFFFFFB0, s18;
	[sflag:s9] =	ssyncadd.s32 $0xFFFFD800  }
0x2c: {  	[tilespmem:s11], [sflag:$0x1] =	stream.indirect.gather [hbm4b:s3+s10], $0x80, s20, s10, $0xb8;
	[tilespmem:$0x5680] =	vst v63  }
0x2d: {  	_ =	swait.ge [sflag:s14], $0x2800  }
0x2e: {  	[sflag:s14] =	ssyncset.done $0x0  }
.Ltmp0:
0x2f: {  	s19 =	sadd.s32 $0x500, s19;
	[sflag:s14] =	ssyncadd.s32 $0xFFFFD800;
	(pc) =	sbr.rel @p0 .LBB2_2-.Ltmp0, $4  }
0x30: {  	[hbm4b:s19+s2] =	stream.linear.scatter [tilespmem:s12], [sflag:$0x3], $0x2800, $0x38;
	[tilespmem:$0x5680] =	vst v63  }
0x31: {  	_ =	swait.ge [sflag:s9], $0x2800  }
0x32: {  	[sflag:s9] =	ssyncset.done $0x0  }
0x33: {  	s18 =	sadd.s32 $0xA0, s18;
	[sflag:s9] =	ssyncadd.s32 $0xFFFFD800  }
0x34: {  	[tilespmem:s12], [sflag:$0x2] =	stream.indirect.gather [hbm4b:s3+s10], $0x80, s16, s10, $0xb8;
	[tilespmem:$0x5680] =	vst v63  }
0x35: {  	_ =	swait.ge [sflag:s13], $0x2800  }
0x36: {  	[sflag:s13] =	ssyncset.done $0x0  }
0x37: {  	[sflag:s13] =	ssyncadd.s32 $0xFFFFD800  }
0x38: {  	[hbm4b:s6+s2] =	stream.linear.scatter [tilespmem:s11], [sflag:$0x3], $0x2800, $0x38;
	[tilespmem:$0x5680] =	vst v63  }
0x39: {  	_ =	swait.ge [sflag:s9], $0x2800  }
0x3a: {  	[sflag:s9] =	ssyncset.done $0x0  }
0x3b: {  	[sflag:s9] =	ssyncadd.s32 $0xFFFFD800  }
0x3c: {  	s15 =	sadd.s32 $0x1, s15;
	_ =	swait.ge [sflag:s14], $0x2800  }
0x3d: {  	p0 =	sne.s32 s15, s5;
	[sflag:s14] =	ssyncset.done $0x0  }
.Ltmp1:
0x3e: {  	[sflag:s14] =	ssyncadd.s32 $0xFFFFD800;
	(pc) =	sbr.rel @p0 .LBB2_1-.Ltmp1, $4  }
0x3f: {  	[hbm4b:s7+s2] =	stream.linear.scatter [tilespmem:s12], [sflag:$0x3], $0x2800, $0x38;
	[tilespmem:$0x5680] =	vst v63  }
0x40: {  	_ =	swait.ge [sflag:s9], $0x2800  }
0x41: {  	[sflag:s9] =	ssyncset.done $0x0  }
0x42: {  	[sflag:s9] =	ssyncadd.s32 $0xFFFFD800  }
0x43: {  	_ =	sfence.sel $0x180000  }
0x44: {  	[bflag:$0x0] =	sbarrier.arrive $0xFFFF  }
0x45: {  	p0 =	sne.s32 s0, $0x0;
	_ =	strace $0x90000047  }
0x46: {  	s0 =	sadd.s32 @!p0 $0x100000, s1;
	[bflag:$0x2] =	sbarrier.arrive $0xFFFF  }
0x47: {  	[sflag:s0] =	ssyncadd.tile.s32 @!p0 $0x1;
	_ =	shalt  }
.Lfunc_end2:
_tile_overlayer_lowered:
.L_overlay_start_2:
0x48: {  	(tag) =	ssettag $0x2  }
0x49: {  	s0 =	rddreg [dreg:$0x0];
	s2 =	stileid.u32  }
0x4a: {  	s1 =	rddreg [dreg:$0x1];
	p0 =	sne.s32 s2, $0x0  }
0x4b: {  	s3 =	rddreg [dreg:$0x2];
	[bflag:$0x3] =	sbarrier.arrive $0xFFFF;
	s2 =	simm.s32 @!p0 $0x1C03  }
0x4c: {  	[timem:s3], [sflag:s2] =	dma.local @!p0 [hbm:s0], s1  }
0x4d: {  	s0 =	simm.s32 @!p0 $0x3  }
0x4e: {  	_ =	swait.ge @!p0 [sflag:s0], s1  }
0x4f: {  	s1 =	ssub.s32 @!p0 $0x0, s1;
	[sflag:s0] =	ssyncset.done @!p0 $0x0  }
0x50: {  	[sflag:s0] =	ssyncadd.s32 @!p0 s1  }
0x51: {  	[bflag:$0x3] =	sbarrier.arrive $0xFFFF  }
0x52: {  	_ =	shalt  }

// kernel: sparse-core-data-format-call.cloned.1.call-start
scs
called_computation_lowered:
.L_overlay_start_0:
0x0: {  	s2 =	sld [smem:$0x3FD9]  }
0x1: {  	s3 =	sld [smem:$0x3FFE];
	_ =	sdelay $0x1  }
0x2: {  	s1 =	srdreg.scid  }
0x3: {  	s0 =	sand.u32 $0x1, s1  }
0x4: {  	s18 =	sshll.u32 s0, $0xA;
	s2 =	sadd.s32 s3, s2  }
0x5: {  	s2 =	sadd.s32 s2, s18  }
0x6: {  	[smem:$0x3FC5] =	sst s2  }
0x7: {  	_ = 	snop  }
0x8: {  	s2 =	sld [smem:$0x3FD0];
	(tm) =	ssettm $0x1  }
0x9: {  	s19 =	sld [smem:$0x3FFB];
	_ =	sdelay $0x3  }
0xa: {  	_ =	strace s19  }
0xb: {  	s3 =	sld [smem:$0x3FFC];
	_ =	sdelay $0x3  }
0xc: {  	_ =	strace s3  }
0xd: {  	s3 =	sld [smem:$0x3FFD];
	_ =	sdelay $0x3  }
0xe: {  	_ =	strace s3  }
0xf: {  	_ =	strace $0x8FFFFFFF  }
0x10: {  	s20 =	sld [smem:$0x3FDB];
	_ =	sdelay $0x1  }
0x11: {  	s4 =	simm.s32 $_scs_section_size  }
0x12: {  	s5 =	simm.s32 $_size__tile_overlayer_lowered;
	s6 =	simm.s32 $_tile_overlayer_lowered  }
0x13: {  	s23 =	simm.s32 $0x1BFF;
	s22 =	sshll.u32 s6, $0x1;
	s3 =	sadd.s32 s4, s20  }
0x14: {  	s7 =	simm.s32 $0x0;
	s21 =	sshll.u32 s5, $0x1;
	s5 =	sadd.s32 s22, s3  }
0x15: {  	[timem:s7], [sflag:s23] =	dma.local [hbm:s5], s21  }
0x16: {  	_ =	swait.ge [sflag:s23], s21  }
0x17: {  	s4 =	ssub.s32 $0x0, s21;
	[sflag:s23] =	ssyncset.done $0x0  }
0x18: {  	[sflag:s23] =	ssyncadd.s32 s4;
	_ =	sdelay $0x1  }
0x19: {  	s24 =	simm.s32 $0x1B8B  }
0x1a: {  	_ =	swait.ge [sflag:s24], $0x1  }
0x1b: {  	[sflag:s24] =	ssyncset.done $0x0  }
0x1c: {  	s26 =	simm.s32 $0x1B8E;
	s25 =	sld [smem:$0x3FFE];
	[sflag:s24] =	ssyncadd.s32 $0xFFFFFFFF  }
0x1d: {  	s27 =	simm.s32 $execute0_lowered;
	[smem:$0x3FD2] =	sst s26  }
0x1e: {  	s5 =	sshll.u32 s27, $0x1;
	_ =	strace $0x80000049;
	[dreg:$0x1] =	wrdreg $0xFFFFFFFF  }
0x1f: {  	s28 =	simm.s32 $_size_execute0_lowered;
	s3 =	sadd.s32 s3, s5;
	[dreg:$0x0] =	wrdreg $0x0  }
0x20: {  	s5 =	sshll.u32 s28, $0x1;
	[dreg:$0x2] =	wrdreg s3  }
0x21: {  	[dreg:$0x3] =	wrdreg s5  }
0x22: {  	[dreg:$0x4] =	wrdreg $0xC0  }
0x23: {  	_ =	task [dreg:s7], $0x5FFFF  }
0x24: {  	[dreg:$0x1] =	wrdreg $0xFFFFFFFF  }
0x25: {  	[dreg:$0x0] =	wrdreg $0x60  }
0x26: {  	[dreg:$0x2] =	wrdreg s25  }
0x27: {  	[dreg:$0x3] =	wrdreg s2  }
0x28: {  	[dreg:$0x4] =	wrdreg $0x9  }
0x29: {  	_ =	task.clear_ibuf [dreg:s7], $0x5FFFF;
	_ =	strace $0x90000049  }
0x2a: {  	s29 =	simm.s32 $0x9;
	_ =	strace $0x8000004B  }
0x2b: {  	_ =	swait.ge [sflag:s29], $0x1  }
0x2c: {  	[sflag:s29] =	ssyncadd.s32 $0xFFFFFFFF  }
0x2d: {  	_ =	strace $0x9000004B  }
0x2e: {  	_ =	sfence  }
0x2f: {  	s30 =	sld [smem:$0x0];
	_ =	sdelay $0x2  }
0x30: {  	s31 =	sshll.u32 s1, $0xD;
	s1 =	sshrl.u32 s1, $0x2  }
0x31: {  	s3 =	sand.u32 $0x4000, s31;
	s1 =	sadd.s32 s1, s30  }
0x32: {  	s0 =	sor.u32 s3, s0;
	s1 =	sshll.u32 s1, $0x11  }
0x33: {  	s0 =	sor.u32 s1, s0  }
0x34: {  	s0 =	sadd.s32 $0x8F2B, s0  }
0x35: {  	[sflag:s0] =	ssyncadd.remote.s32 $0x1  }
0x36: {  	_ =	sfence.sel $0xFFFF  }
0x37: {  	[dreg:$0x0] =	wrdreg $0xFFFFFFFF;
	(pc) =	sbr.abs _section_cstart, $3  }
0x38: {  	[dreg:$0x1] =	wrdreg $0xFFFFFFFF  }
0x39: {  	_ =	task.clear_ibuf [dreg:s7], $0x2FFFF;
	_ =	strace $0x9FFFFFFF  }
0x3a: {  	(tm) =	ssettm $0x7FFFFFFF  }
0x3b: {  	_ =	shalt  }
tec
execute0_lowered:
.L_overlay_start_1:
0x0: {  	(tag) =	ssettag $0x1  }
0x1: {  	s0 =	stileid.u32  }
0x2: {  	s1 =	srdreg.scid;
	s4 =	rddreg [dreg:$0x0]  }
0x3: {  	s3 =	rddreg [dreg:$0x1];
	s2 =	sshll.u32 s0, $0x5;
	s1 =	sshll.u32 s1, $0x9  }
0x4: {  	s8 =	simm.s32 $0x2;
	s15 =	simm.s32 $0x0;
	s1 =	sor.u32 s2, s1  }
0x5: {  	s9 =	simm.s32 $0x80;
	s10 =	simm.s32 $0x1000;
	s2 =	sand.u32 $0x380, s1  }
0x6: {  	s11 =	simm.s32 $0x0;
	s16 =	simm.s32 $0x0;
	s5 =	ssub.s32 $0x400, s2  }
0x7: {  	s17 =	simm.s32 $0x0;
	s12 =	simm.s32 $0x0;
	s6 =	sand.u32 $0x380, s5  }
0x8: {  	s14 =	simm.s32 $0x0;
	p0 =	sne.s32 s6, $0x0;
	s6 =	simm.s32 $0x1  }
.Ltmp0:
0x9: {  	s5 =	sshrl.u32 s5, $0xA;
	s6 =	simm.s32 @!p0 $0x0;
	(pc) =	sbr.rel .LBB1_1-.Ltmp0, $4  }
0xa: {  	s1 =	rddreg [dreg:$0x2];
	_ =	strace $0x8000004A;
	s5 =	sadd.s32 s6, s5  }
0xb: {  	s7 =	sadd.s32 s2, s4;
	s4 =	simm.s32 $0x1;
	s5 =	smul.u32 $0x19, s5  }
0xc: {  	[sflag:s4] =	ssyncpa.u1 $0x0;
	s7 =	sadd.s32 $0xC8C00, s7;
	s6 =	sand.u32 $0x3, s0  }
0xd: {  	[sflag:s8] =	ssyncpa.u1 $0x0;
	s13 =	smov.u32 s6;
	s8 =	sadd.s32 $0x1, s5  }
.LBB1_7:
0xe: {  	s18 =	sadd.s32 $0x2, s12  }
0xf: {  	s16 =	sadd.s32 $0x4, s13;
	s19 =	smov.u32 s13;
	p1 =	sgt.s32 s18, $0x31  }
0x10: {  	s19 =	smov.u32 @p1 s16  }
0x11: {  	s18 =	simm.s32 @p1 $0x0;
	p1 =	sgt.s32 s19, $0x3  }
0x12: {  	s19 =	smov.u32 @p1 s6;
	p1 =	sne.s32 s14, s8  }
.Ltmp1:
0x13: {  	p0 =	slt.u32 s14, $0x2;
	(pc) =	sbr.rel @!p1 .LBB1_8-.Ltmp1, $4  }
0x14: {  	s17 =	smov.u32 s13;
	s15 =	simm.s32 @!p0 $0x2  }
0x15: {  	s11 =	sadd.s32 $0x4000, s11;
	_ =	swait.ge @!p0 [sflag:s15], $0x4000;
	s16 =	smov.u32 s12  }
0x16: {  	[sflag:s15] =	ssyncset.done @!p0 $0x0;
	s12 =	smov.u32 s18;
	s14 =	sadd.s32 $0x1, s14  }
0x17: {  	[sflag:s15] =	ssyncadd.s32 @!p0 $0xFFFFC000;
	s15 =	smov.u32 s2;
	s13 =	smov.u32 s19  }
.LBB1_1:
0x18: {  	p0 =	sge.u32 s14, s5  }
0x19: {  	s19 =	smul.u32 @!p0 $0x64000, s13  }
0x1a: {  	s31 =	sadd.s32 $0xFFFFFFFF, s14;
	s18 =	sxor.u32 @!p0 $0xFFFFFFFF, s14;
	s20 =	sshll.u32 @!p0 s12, $0xD  }
0x1b: {  	s21 =	simm.s32 @!p0 $0x2000;
	s18 =	sshll.u32 @!p0 s18, $0xE;
	s19 =	sadd.s32 @!p0 s19, s7  }
0x1c: {  	s18 =	sand.u32 @!p0 $0x4000, s18;
	s19 =	sadd.s32 @!p0 s20, s19;
	s20 =	simm.s32 @!p0 $0x400  }
0x1d: {  	[tilespmem:s18], [sflag:$0x1] =	stream.strided.gather @!p0 [hbm4b:s19+s20], $0x4000, s21, s20, $0x38;
	[tilespmem:$0x10000] =	vst v63  }
0x1e: {  	p0 =	sge.u32 s31, s5  }
.Ltmp2:
0x1f: {  	_ = 	snop;
	(pc) =	sbr.rel @p0 .LBB1_7-.Ltmp2, $1  }
0x20: {  	_ =	sdelay $0x3  }
0x21: {  	s18 =	sshll.u32 s11, $0x2  }
0x22: {  	_ =	swait.ge [sflag:s4], $0x4000;
	s19 =	sshll.u32 s14, $0xE;
	s21 =	simm.s32 $0x0  }
0x23: {  	p1 =	por $0x1, $0x1;
	s18 =	sand.u32 $0x10000, s18;
	[sflag:s4] =	ssyncset.done $0x0  }
0x24: {  	s19 =	sand.u32 $0x4000, s19;
	s20 =	sshrl.u32 s18, $0x2;
	[sflag:s4] =	ssyncadd.s32 $0xFFFFC000  }
0x25: {  	s18 =	sor.u32 $0x8000, s19;
	s19 =	sadd.s32 $0x70, s20;
	s20 =	sadd.s32 $0x8040, s20  }
.LBB1_3:
0x26: {  	s21 =	sshll.u32 s21, $0x2  }
0x27: {  	s22 =	sshra.s32 s21, $0x2  }
0x28: {  	s21 =	sadd.s32 s22, s19  }
0x29: {  	v1 =	vmov s21;
	_ =	sdelay $0x3  }
0x2a: {  	s21 =	simm.s32 $0x0  }
0x2b: {  	s22 =	sadd.s32 s22, s20;
	v7 =	vld.idx.msk [tilespmem:v1+s21+$0x0 ss:$0x1], $0xffff  }
0x2c: {  	v0 =	vmov s22;
	v8 =	vld.idx.msk [tilespmem:v1+s21+$0xFFFFFF90 ss:$0x1], $0xffff  }
0x2d: {  	v6 =	vld.idx.msk [tilespmem:v1+s21+$0xFFFFFFA0 ss:$0x1], $0xffff  }
0x2e: {  	v5 =	vld.idx.msk [tilespmem:v1+s21+$0xFFFFFFB0 ss:$0x1], $0xffff  }
0x2f: {  	v4 =	vld.idx.msk [tilespmem:v1+s21+$0xFFFFFFC0 ss:$0x1], $0xffff  }
0x30: {  	v2 =	vld.idx.msk [tilespmem:v1+s21+$0xFFFFFFD0 ss:$0x1], $0xffff  }
0x31: {  	v3 =	vld.idx.msk [tilespmem:v1+s21+$0xFFFFFFE0 ss:$0x1], $0xffff;
	[tilespmem:v0+s21+$0x30 ss:$0x1] =	vst.idx.msk $0xffff, v7  }
0x32: {  	p0 =	por p1, p1;
	s23 =	simm.s32 $0x400;
	s22 =	simm.s32 $0x80;
	[tilespmem:v0+s21+$0xFFFFFFC0 ss:$0x1] =	vst.idx.msk $0xffff, v8;
	v7 =	vld.idx.msk [tilespmem:v1+s21+$0xFFFFFFF0 ss:$0x1], $0xffff  }
.LBB1_4:
0x33: {  	p1 =	sne.s32 s23, $0x7E00;
	v8 =	vld.idx.msk [tilespmem:v1+s22+$0x0 ss:$0x1], $0xffff;
	[tilespmem:v0+s21+$0xFFFFFFD0 ss:$0x1] =	vst.idx.msk $0xffff, v6  }
0x34: {  	v9 =	vld.idx.msk [tilespmem:v1+s22+$0xFFFFFF90 ss:$0x1], $0xffff;
	[tilespmem:v0+s21+$0xFFFFFFE0 ss:$0x1] =	vst.idx.msk $0xffff, v5  }
0x35: {  	v6 =	vld.idx.msk [tilespmem:v1+s22+$0xFFFFFFA0 ss:$0x1], $0xffff;
	[tilespmem:v0+s21+$0xFFFFFFF0 ss:$0x1] =	vst.idx.msk $0xffff, v4  }
.Ltmp3:
0x36: {  	v5 =	vld.idx.msk [tilespmem:v1+s22+$0xFFFFFFB0 ss:$0x1], $0xffff;
	[tilespmem:v0+s21+$0x0 ss:$0x1] =	vst.idx.msk $0xffff, v2;
	(pc) =	sbr.rel @p1 .LBB1_4-.Ltmp3, $4  }
0x37: {  	v4 =	vld.idx.msk [tilespmem:v1+s22+$0xFFFFFFC0 ss:$0x1], $0xffff;
	[tilespmem:v0+s21+$0x10 ss:$0x1] =	vst.idx.msk $0xffff, v3  }
0x38: {  	v2 =	vld.idx.msk [tilespmem:v1+s22+$0xFFFFFFD0 ss:$0x1], $0xffff;
	[tilespmem:v0+s21+$0x20 ss:$0x1] =	vst.idx.msk $0xffff, v7;
	s21 =	smov.u32 s22  }
0x39: {  	v3 =	vld.idx.msk [tilespmem:v1+s21+$0xFFFFFFE0 ss:$0x1], $0xffff;
	[tilespmem:v0+s21+$0x30 ss:$0x1] =	vst.idx.msk $0xffff, v8  }
0x3a: {  	s22 =	sshra.s32 s23, $0x2;
	s23 =	sadd.s32 $0x200, s23;
	[tilespmem:v0+s21+$0xFFFFFFC0 ss:$0x1] =	vst.idx.msk $0xffff, v9;
	v7 =	vld.idx.msk [tilespmem:v1+s21+$0xFFFFFFF0 ss:$0x1], $0xffff  }
0x3b: {  	_ =	sdelay $0x3  }
0x3c: {  	[tilespmem:v0+s21+$0xFFFFFFD0 ss:$0x1] =	vst.idx.msk $0xffff, v6  }
0x3d: {  	v56 =	vld.idx.msk [tilespmem:v1+s22+$0x0 ss:$0x1], $0xffff;
	[tilespmem:v0+s21+$0xFFFFFFE0 ss:$0x1] =	vst.idx.msk $0xffff, v5  }
0x3e: {  	v57 =	vld.idx.msk [tilespmem:v1+s22+$0xFFFFFF90 ss:$0x1], $0xffff;
	[tilespmem:v0+s21+$0xFFFFFFF0 ss:$0x1] =	vst.idx.msk $0xffff, v4  }
0x3f: {  	v58 =	vld.idx.msk [tilespmem:v1+s22+$0xFFFFFFA0 ss:$0x1], $0xffff;
	[tilespmem:v0+s21+$0x0 ss:$0x1] =	vst.idx.msk $0xffff, v2  }
0x40: {  	v59 =	vld.idx.msk [tilespmem:v1+s22+$0xFFFFFFB0 ss:$0x1], $0xffff;
	[tilespmem:v0+s21+$0x10 ss:$0x1] =	vst.idx.msk $0xffff, v3  }
0x41: {  	v60 =	vld.idx.msk [tilespmem:v1+s22+$0xFFFFFFC0 ss:$0x1], $0xffff;
	[tilespmem:v0+s21+$0x20 ss:$0x1] =	vst.idx.msk $0xffff, v7  }
0x42: {  	v61 =	vld.idx.msk [tilespmem:v1+s22+$0xFFFFFFD0 ss:$0x1], $0xffff;
	[tilespmem:v0+s22+$0x30 ss:$0x1] =	vst.idx.msk $0xffff, v56  }
0x43: {  	v62 =	vld.idx.msk [tilespmem:v1+s22+$0xFFFFFFE0 ss:$0x1], $0xffff;
	[tilespmem:v0+s22+$0xFFFFFFC0 ss:$0x1] =	vst.idx.msk $0xffff, v57  }
0x44: {  	v63 =	vld.idx.msk [tilespmem:v1+s22+$0xFFFFFFF0 ss:$0x1], $0xffff;
	[tilespmem:v0+s22+$0xFFFFFFD0 ss:$0x1] =	vst.idx.msk $0xffff, v58  }
.Ltmp4:
0x45: {  	[tilespmem:v0+s22+$0xFFFFFFE0 ss:$0x1] =	vst.idx.msk $0xffff, v59;
	(pc) =	sbr.rel @p0 .LBB1_3-.Ltmp4, $4  }
0x46: {  	[tilespmem:v0+s22+$0xFFFFFFF0 ss:$0x1] =	vst.idx.msk $0xffff, v60  }
0x47: {  	[tilespmem:v0+s22+$0x0 ss:$0x1] =	vst.idx.msk $0xffff, v61  }
0x48: {  	[tilespmem:v0+s22+$0x10 ss:$0x1] =	vst.idx.msk $0xffff, v62  }
0x49: {  	p1 =	por $0x0, $0x0;
	s21 =	simm.s32 $0x2000;
	[tilespmem:v0+s22+$0x20 ss:$0x1] =	vst.idx.msk $0xffff, v63  }
0x4a: {  	s17 =	sshll.u32 s17, $0x7  }
0x4b: {  	s19 =	sshll.u32 s15, $0x2;
	s16 =	sshll.u32 s16, $0xF;
	s31 =	sshrl.u32 s15, $0x1  }
.Ltmp5:
0x4c: {  	s17 =	sand.u32 $0x180, s17;
	s19 =	sand.u32 $0x200, s19;
	(pc) =	sbr.rel .LBB1_7-.Ltmp5, $4  }
0x4d: {  	s15 =	sand.u32 $0x180, s31;
	s16 =	sadd.s32 s3, s16;
	s17 =	sor.u32 s17, s19  }
0x4e: {  	s15 =	sadd.s32 s15, s16;
	s17 =	sshrl.u32 s17, $0x3  }
0x4f: {  	s15 =	sadd.s32 s17, s15  }
0x50: {  	[hbm4b:s15+s9] =	stream.strided.scatter [tilespmem:s18], [sflag:$0x2], $0x4000, s10, s9, $0x38;
	[tilespmem:$0x10000] =	vst v63  }
.LBB1_8:
0x51: {  	_ =	sfence.sel $0x180000  }
0x52: {  	s2 =	simm.s32 $0x1;
	[bflag:$0x0] =	sbarrier.arrive $0xFFFF  }
0x53: {  	s31 =	simm.s32 $0x2;
	[sflag:s2] =	ssyncpa.u1 $0x1  }
0x54: {  	[sflag:s31] =	ssyncpa.u1 $0x1  }
0x55: {  	p0 =	sne.s32 s0, $0x0;
	_ =	strace $0x9000004A  }
0x56: {  	s0 =	sadd.s32 @!p0 $0x100000, s1;
	[bflag:$0x2] =	sbarrier.arrive $0xFFFF  }
0x57: {  	[sflag:s0] =	ssyncadd.tile.s32 @!p0 $0x1;
	_ =	shalt  }
.Lfunc_end1:
_tile_overlayer_lowered:
.L_overlay_start_2:
0x58: {  	(tag) =	ssettag $0x2  }
0x59: {  	s0 =	rddreg [dreg:$0x0];
	s2 =	stileid.u32  }
0x5a: {  	s1 =	rddreg [dreg:$0x1];
	p0 =	sne.s32 s2, $0x0  }
0x5b: {  	s3 =	rddreg [dreg:$0x2];
	[bflag:$0x3] =	sbarrier.arrive $0xFFFF;
	s2 =	simm.s32 @!p0 $0x1C01  }
0x5c: {  	[timem:s3], [sflag:s2] =	dma.local @!p0 [hbm:s0], s1  }
0x5d: {  	s0 =	simm.s32 @!p0 $0x1  }
0x5e: {  	_ =	swait.ge @!p0 [sflag:s0], s1  }
0x5f: {  	s1 =	ssub.s32 @!p0 $0x0, s1;
	[sflag:s0] =	ssyncset.done @!p0 $0x0  }
0x60: {  	[sflag:s0] =	ssyncadd.s32 @!p0 s1  }
0x61: {  	[bflag:$0x3] =	sbarrier.arrive $0xFFFF  }
0x62: {  	_ =	shalt  }

</sc_bundles>
